<compile_context>
chip_gen: v7x
topology: tpu7x:2x2x1
jax: 0.10.2.dev20260603
libtpu: 0.0.44.dev20260713+nightly
codegen_flags: <defaults>
</compile_context>

<pallas_src>
import numpy as np

import jax
import jax.numpy as jnp
from jax import lax
from jax.experimental import pallas as pl
from jax.experimental.pallas import tpu as pltpu
from jax.experimental.pallas import tpu_sc as plsc

BS = 64
SEQ = 128
D = 512
SP = 12
NF = 128
NI = SEQ - SP
R = BS * NI
C = BS * SEQ
TEMP = 0.07

NW = 32
RPW = R // NW
EPW = RPW * (1 + NF)
CHUNK = 128
NCH = (EPW + CHUNK - 1) // CHUNK
EPW_PAD = NCH * CHUNK
FIRES = 13
NGROUP = NCH // FIRES


def _sample_indices_np():
    rng = jax.random.key(42)
    seqs, bats = [], []
    for i in range(NI):
        rng, ka, kb = jax.random.split(rng, 3)
        s = jax.random.randint(ka, (BS * NF,), 0, SEQ - 1)
        s2 = jnp.where(s < i + SP, s, s + 1)
        b = jax.random.randint(kb, (BS * NF,), 0, BS)
        seqs.append(np.asarray(s2))
        bats.append(np.asarray(b))
    s2a = np.stack(seqs)
    bba = np.stack(bats)
    col_neg = (bba * SEQ + s2a).reshape(NI, BS, NF).transpose(1, 0, 2)
    col_pos = (np.arange(BS)[:, None] * SEQ
               + (np.arange(NI)[None, :] + SP))[..., None]
    cols = np.concatenate([col_pos, col_neg], axis=2).reshape(R, 1 + NF)
    r = np.arange(R)[:, None]
    addr = ((r // 8) * 65536 + (cols // 128) * 1024
            + (r % 8) * 128 + (cols % 128)).astype(np.int32)
    flat = addr.reshape(NW, EPW)
    flat = np.pad(flat, ((0, 0), (0, EPW_PAD - EPW)))
    return flat.reshape(NW, NCH, CHUNK)


try:
    _IDX_DEV = jax.devices("cpu")[0]
except RuntimeError:
    _IDX_DEV = None

if _IDX_DEV is not None:
    with jax.default_device(_IDX_DEV):
        _IDX_NP = _sample_indices_np()
else:
    _IDX_NP = _sample_indices_np()


def _sample_indices():
    return jnp.asarray(_IDX_NP)


RBLK = 256
CBLK = 1024


def _sim_body(p_ref, e_ref, s_ref):
    a = p_ref[...]
    b = e_ref[...]
    an = a / jnp.maximum(jnp.sqrt(jnp.sum(a * a, axis=1, keepdims=True)), 1e-12)
    bn = b / jnp.maximum(jnp.sqrt(jnp.sum(b * b, axis=1, keepdims=True)), 1e-12)
    ah = an.astype(jnp.bfloat16)
    al = (an - ah.astype(jnp.float32)).astype(jnp.bfloat16)
    bh = bn.astype(jnp.bfloat16)
    bl = (bn - bh.astype(jnp.float32)).astype(jnp.bfloat16)

    def dot(x, y):
        return lax.dot_general(
            x, y, (((1,), (1,)), ((), ())),
            preferred_element_type=jnp.float32)

    res = dot(ah, bh) + (dot(ah, bl) + dot(al, bh))
    r4 = res.reshape(RBLK // 8, 8, CBLK // 128, 128)
    s_ref[...] = r4.transpose(0, 2, 1, 3).reshape(RBLK // 8, CBLK // 128 * 8, 128)


def _similarity(p, e):
    return pl.pallas_call(
        _sim_body,
        grid=(C // CBLK, R // RBLK),
        in_specs=[
            pl.BlockSpec((RBLK, D), lambda j, r: (r, 0)),
            pl.BlockSpec((CBLK, D), lambda j, r: (j, 0)),
        ],
        out_specs=pl.BlockSpec((RBLK // 8, CBLK // 128 * 8, 128),
                               lambda j, r: (r, j, 0)),
        out_shape=jax.ShapeDtypeStruct((R // 8, C // 128 * 8, 128), jnp.float32),
        compiler_params=pltpu.CompilerParams(
            dimension_semantics=("arbitrary", "arbitrary")),
    )(p, e)


def _gather_body(s_hbm, idx_hbm, out_hbm, idx_v, g_v, sem):
    nc = 2
    wid = lax.axis_index("s") * nc + lax.axis_index("c")
    pltpu.sync_copy(idx_hbm.at[wid], idx_v)

    def group(g, carry):
        for t in range(FIRES):
            j = g * FIRES + t
            dst = g_v.at[pl.ds(pl.multiple_of(j * CHUNK, CHUNK), CHUNK)]
            pltpu.async_copy(s_hbm.at[idx_v.at[j]], dst, sem)
        return carry

    lax.fori_loop(0, NGROUP, group, 0)
    pltpu.make_async_copy(out_hbm.at[pl.ds(0, EPW_PAD)], g_v, sem).wait()
    base = pl.multiple_of(wid * EPW_PAD, EPW_PAD)
    pltpu.sync_copy(g_v, out_hbm.at[pl.ds(base, EPW_PAD)])


def _gather(s_flat, idx):
    k = pl.kernel(
        _gather_body,
        mesh=plsc.VectorSubcoreMesh(core_axis_name="c", subcore_axis_name="s"),
        out_type=jax.ShapeDtypeStruct((NW * EPW_PAD,), jnp.float32),
        scratch_types=[
            pltpu.VMEM((NCH, CHUNK), jnp.int32),
            pltpu.VMEM((EPW_PAD,), jnp.float32),
            pltpu.SemaphoreType.DMA,
        ],
    )
    return k(s_flat, idx)


LBLK = 128


def _loss_body(g_ref, loss_ref, acc_ref):
    a = pl.program_id(0)
    x = g_ref[...] * (1.0 / TEMP)
    xp = x[:, 0:1]
    mn = jnp.max(x[:, 1:], axis=1, keepdims=True)
    m = jnp.maximum(mn, xp)
    lse = m + jnp.log(jnp.sum(jnp.exp(x - m), axis=1, keepdims=True))
    loss_part = jnp.sum(lse - xp) * (1.0 / BS)
    tp_part = jnp.sum((xp >= mn).astype(jnp.float32))

    @pl.when(a == 0)
    def _():
        loss_ref[0, 0] = 0.0
        acc_ref[0, 0] = 0.0

    loss_ref[0, 0] += loss_part
    acc_ref[0, 0] += tp_part

    @pl.when(a == pl.num_programs(0) - 1)
    def _():
        acc_ref[0, 0] = acc_ref[0, 0] * (1.0 / (BS * NI))


def _loss(g2):
    return pl.pallas_call(
        _loss_body,
        grid=(R // LBLK,),
        in_specs=[pl.BlockSpec((LBLK, 1 + NF), lambda a: (a, 0))],
        out_specs=[
            pl.BlockSpec(memory_space=pltpu.SMEM),
            pl.BlockSpec(memory_space=pltpu.SMEM),
        ],
        out_shape=[
            jax.ShapeDtypeStruct((1, 1), jnp.float32),
            jax.ShapeDtypeStruct((1, 1), jnp.float32),
        ],
        compiler_params=pltpu.CompilerParams(
            dimension_semantics=("arbitrary",)),
    )(g2)


def kernel(input_predicted, input_encoded):
    p = input_predicted[:, :NI, :].reshape(R, D)
    e = input_encoded.reshape(C, D)
    s = _similarity(p, e)
    g = _gather(s.reshape(-1), _sample_indices())
    g2 = g.reshape(NW, EPW_PAD)[:, :EPW].reshape(R, 1 + NF)
    loss, acc = _loss(g2)
    return loss[0, 0], acc[0, 0]

# --- scband reference (transcript-rebuilt; emitter-appended) ---
"""Pipeline reference for scband-cpcloss-7189775253650 (READ-ONLY COPY).

The authoritative reference and input builder live on the scoring server;
editing this copy changes nothing except your own understanding.
"""

import jax, jax.numpy as jnp
import numpy as np

STEPS_PREDICTED = 12
N_FALSE_NEGATIVES = 128
NEG_FROM_SAME_SEQ_ONLY = False
NEG_SELECTION_INTERVAL = 0
TEMPERATURE = 0.07
NORMALIZE = True


def setup_inputs(seed: int = 0) -> dict:
    key = jax.random.key(seed)
    k1, k2 = jax.random.split(key)
    bs, seq, d = 64, 128, 512
    input_predicted = jax.random.normal(k1, (bs, seq, d), dtype=jnp.float32)
    input_encoded = jax.random.normal(k2, (bs, seq, d), dtype=jnp.float32)
    return {"input_predicted": input_predicted, "input_encoded": input_encoded}


def _l2_normalize(x, axis=-1, eps=1e-12):
    n = jnp.linalg.norm(x, ord=2, axis=axis, keepdims=True)
    return x / jnp.maximum(n, eps)


def reference(input_predicted, input_encoded):
    bs, seq, d = input_encoded.shape
    flat = input_encoded.reshape(-1, d)
    rng = jax.random.key(42)
    loss = jnp.asarray(0.0, dtype=jnp.float32)
    tp_cnt = jnp.asarray(0, dtype=jnp.int64 if jax.config.jax_enable_x64 else jnp.int32)
    for i in range(seq - STEPS_PREDICTED):
        positives = input_encoded[:, i + STEPS_PREDICTED][:, None, :]
        # negatives_selection_interval == 0 branch: start=0, end=seq-1
        rng, ka, kb = jax.random.split(rng, 3)
        idxs_seq = jax.random.randint(ka, (bs * N_FALSE_NEGATIVES,), 0, seq - 1)
        idxs_seq2 = jnp.where(idxs_seq < i + STEPS_PREDICTED, idxs_seq, idxs_seq + 1)
        if NEG_FROM_SAME_SEQ_ONLY:
            idxs_batch = jnp.repeat(jnp.arange(bs), N_FALSE_NEGATIVES)
        else:
            idxs_batch = jax.random.randint(kb, (bs * N_FALSE_NEGATIVES,), 0, bs)
        idxs2_flat = idxs_batch * seq + idxs_seq2
        negatives = jnp.take(flat, idxs2_flat, axis=0).reshape(bs, N_FALSE_NEGATIVES, d)
        candidates = jnp.concatenate([positives, negatives], axis=1)
        preds = input_predicted[:, i]
        if NORMALIZE:
            candidates = _l2_normalize(candidates, axis=-1)
            preds = _l2_normalize(preds, axis=-1)
        sim = jnp.sum(preds[:, None, :] * candidates, axis=-1) / TEMPERATURE
        # cross_entropy with target class 0 (mean over batch)
        logp = jax.nn.log_softmax(sim, axis=-1)
        loss = loss + (-jnp.mean(logp[:, 0]))
        sim_argmax = jnp.argmax(sim, axis=-1)
        tp_cnt = tp_cnt + jnp.sum(sim_argmax == 0)
    metric_acc = tp_cnt.astype(jnp.float32) / bs / (seq - STEPS_PREDICTED)
    return loss, metric_acc

if __name__ == "__main__":
    import jax
    _d = setup_inputs()
    print(jax.jit(kernel)(*tuple(_d.values())))

</pallas_src>

<mosaic_0001>
#map = affine_map<(d0, d1) -> (0)>
#map1 = affine_map<(d0, d1) -> (0, 0, 0)>
module attributes {stable_mosaic.version = 14 : i64} {
  func.func @_gather_body(%arg0: i32, %arg1: i32, %arg2: memref<60817408xf32, #tpu.memory_space<hbm>>, %arg3: memref<32x234x128xi32, #tpu.memory_space<hbm>>, %arg4: memref<958464xf32, #tpu.memory_space<hbm>>, %arg5: memref<234x128xi32, #tpu.memory_space<vmem>>, %arg6: memref<29952xf32, #tpu.memory_space<vmem>>, %arg7: memref<!tpu.dma_semaphore, #tpu.memory_space<semaphore_mem>>) attributes {dimension_semantics = [#tpu.dimension_semantics<core_parallel>, #tpu.dimension_semantics<subcore_parallel>], iteration_bounds = array<i64: 2, 16>, scalar_prefetch = 0 : i64, scratch_operands = 3 : i64, tpu.core_type = #tpu.core_type<sc_vector_subcore>, window_params = [{transform_indices = #map}, {transform_indices = #map1}, {transform_indices = #map}]} {
    %mul3A = arith.constant 2 : i32
    %mul3A_0 = arith.muli %arg1, %mul3A : i32
    %add3A = arith.addi %mul3A_0, %arg0 : i32
    "tpu.region"() ({
      %run_scoped3A = tpu.sem_alloc : memref<!tpu.dma_semaphore, #tpu.memory_space<semaphore_mem>>
      %dma_start3A = arith.constant 0 : i32
      %dma_start3A_11 = arith.constant 0 : i32
      %dma_start3A_12 = tpu.memref_slice %arg3[%add3A, %dma_start3A, %dma_start3A_11] : memref<32x234x128xi32, #tpu.memory_space<hbm>> -> memref<1x234x128xi32, #tpu.memory_space<hbm>>
      %dma_start3A_13 = tpu.memref_squeeze %dma_start3A_12 : memref<1x234x128xi32, #tpu.memory_space<hbm>> -> memref<234x128xi32, #tpu.memory_space<hbm>>
      %dma_start3A_14 = arith.constant 0 : i32
      %dma_start3A_15 = arith.constant 0 : i32
      %dma_start3A_16 = tpu.memref_slice %arg3[%add3A, %dma_start3A_14, %dma_start3A_15] : memref<32x234x128xi32, #tpu.memory_space<hbm>> -> memref<1x234x128xi32, #tpu.memory_space<hbm>>
      %dma_start3A_17 = tpu.memref_squeeze %dma_start3A_16 : memref<1x234x128xi32, #tpu.memory_space<hbm>> -> memref<234x128xi32, #tpu.memory_space<hbm>>
      tpu.enqueue_dma source(%dma_start3A_17 : memref<234x128xi32, #tpu.memory_space<hbm>>) target(%arg5 : memref<234x128xi32, #tpu.memory_space<vmem>>) target_semaphore(%run_scoped3A : memref<!tpu.dma_semaphore, #tpu.memory_space<semaphore_mem>>)
      %dma_wait3A_18 = arith.constant 0 : i32
      %dma_wait3A_19 = arith.constant 0 : i32
      %dma_wait3A_20 = tpu.memref_slice %arg3[%add3A, %dma_wait3A_18, %dma_wait3A_19] : memref<32x234x128xi32, #tpu.memory_space<hbm>> -> memref<1x234x128xi32, #tpu.memory_space<hbm>>
      %dma_wait3A_21 = tpu.memref_squeeze %dma_wait3A_20 : memref<1x234x128xi32, #tpu.memory_space<hbm>> -> memref<234x128xi32, #tpu.memory_space<hbm>>
      %dma_wait3A_22 = arith.constant 0 : i32
      %dma_wait3A_23 = arith.constant 0 : i32
      %dma_wait3A_24 = tpu.memref_slice %arg3[%add3A, %dma_wait3A_22, %dma_wait3A_23] : memref<32x234x128xi32, #tpu.memory_space<hbm>> -> memref<1x234x128xi32, #tpu.memory_space<hbm>>
      %dma_wait3A_25 = tpu.memref_squeeze %dma_wait3A_24 : memref<1x234x128xi32, #tpu.memory_space<hbm>> -> memref<234x128xi32, #tpu.memory_space<hbm>>
      tpu.wait_dma2 semaphore(%run_scoped3A : memref<!tpu.dma_semaphore, #tpu.memory_space<semaphore_mem>>) src(%dma_wait3A_25 : memref<234x128xi32, #tpu.memory_space<hbm>>) dst(%arg5 : memref<234x128xi32, #tpu.memory_space<vmem>>)
      tpu.yield
    }) : () -> ()
    %scan3A = arith.constant 0 : i32
    %scan3A_1 = arith.constant 0 : i32
    %scan3A_2 = arith.constant 18 : i32
    %scan3A_3 = arith.addi %scan3A_1, %scan3A_2 : i32
    %scan3A_4 = arith.constant 1 : i32
    scf.for %scan3A_11 = %scan3A_1 to %scan3A_3 step %scan3A_4  : i32 {
      %mul3A_12 = arith.constant 13 : i32
      %mul3A_13 = arith.muli %scan3A_11, %mul3A_12 : i32
      %add3A_14 = arith.constant 0 : i32
      %add3A_15 = arith.addi %mul3A_13, %add3A_14 : i32
      %mul3A_16 = arith.constant 128 : i32
      %mul3A_17 = arith.muli %add3A_15, %mul3A_16 : i32
      %multiple_of3A_18 = tpu.assume_multiple %mul3A_17, 128 : i32
      %dma_start3A = tpu.memref_slice %arg6[%multiple_of3A_18] : memref<29952xf32, #tpu.memory_space<vmem>> -> memref<128xf32, #tpu.memory_space<vmem>>
      %dma_start3A_19 = arith.constant 0 : i32
      %dma_start3A_20 = tpu.memref_slice %arg5[%add3A_15, %dma_start3A_19] : memref<234x128xi32, #tpu.memory_space<vmem>> -> memref<1x128xi32, #tpu.memory_space<vmem>>
      %dma_start3A_21 = tpu.memref_squeeze %dma_start3A_20 : memref<1x128xi32, #tpu.memory_space<vmem>> -> memref<128xi32, #tpu.memory_space<vmem>>
      %dma_start3A_22 = arith.constant 0 : i32
      %dma_start3A_23 = tpu.memref_slice %arg2[%dma_start3A_22] : memref<60817408xf32, #tpu.memory_space<hbm>> -> memref<60817408xf32, #tpu.memory_space<hbm>>
      tpu.enqueue_indirect_dma source(%dma_start3A_23 : memref<60817408xf32, #tpu.memory_space<hbm>>) target(%dma_start3A : memref<128xf32, #tpu.memory_space<vmem>>) offsets(%dma_start3A_21 : memref<128xi32, #tpu.memory_space<vmem>>) semaphore(%arg7 : memref<!tpu.dma_semaphore, #tpu.memory_space<semaphore_mem>>)
      %mul3A_24 = arith.constant 13 : i32
      %mul3A_25 = arith.muli %scan3A_11, %mul3A_24 : i32
      %add3A_26 = arith.constant 1 : i32
      %add3A_27 = arith.addi %mul3A_25, %add3A_26 : i32
      %mul3A_28 = arith.constant 128 : i32
      %mul3A_29 = arith.muli %add3A_27, %mul3A_28 : i32
      %multiple_of3A_30 = tpu.assume_multiple %mul3A_29, 128 : i32
      %dma_start3A_31 = tpu.memref_slice %arg6[%multiple_of3A_30] : memref<29952xf32, #tpu.memory_space<vmem>> -> memref<128xf32, #tpu.memory_space<vmem>>
      %dma_start3A_32 = arith.constant 0 : i32
      %dma_start3A_33 = tpu.memref_slice %arg5[%add3A_27, %dma_start3A_32] : memref<234x128xi32, #tpu.memory_space<vmem>> -> memref<1x128xi32, #tpu.memory_space<vmem>>
      %dma_start3A_34 = tpu.memref_squeeze %dma_start3A_33 : memref<1x128xi32, #tpu.memory_space<vmem>> -> memref<128xi32, #tpu.memory_space<vmem>>
      %dma_start3A_35 = arith.constant 0 : i32
      %dma_start3A_36 = tpu.memref_slice %arg2[%dma_start3A_35] : memref<60817408xf32, #tpu.memory_space<hbm>> -> memref<60817408xf32, #tpu.memory_space<hbm>>
      tpu.enqueue_indirect_dma source(%dma_start3A_36 : memref<60817408xf32, #tpu.memory_space<hbm>>) target(%dma_start3A_31 : memref<128xf32, #tpu.memory_space<vmem>>) offsets(%dma_start3A_34 : memref<128xi32, #tpu.memory_space<vmem>>) semaphore(%arg7 : memref<!tpu.dma_semaphore, #tpu.memory_space<semaphore_mem>>)
      %mul3A_37 = arith.constant 13 : i32
      %mul3A_38 = arith.muli %scan3A_11, %mul3A_37 : i32
      %add3A_39 = arith.constant 2 : i32
      %add3A_40 = arith.addi %mul3A_38, %add3A_39 : i32
      %mul3A_41 = arith.constant 128 : i32
      %mul3A_42 = arith.muli %add3A_40, %mul3A_41 : i32
      %multiple_of3A_43 = tpu.assume_multiple %mul3A_42, 128 : i32
      %dma_start3A_44 = tpu.memref_slice %arg6[%multiple_of3A_43] : memref<29952xf32, #tpu.memory_space<vmem>> -> memref<128xf32, #tpu.memory_space<vmem>>
      %dma_start3A_45 = arith.constant 0 : i32
      %dma_start3A_46 = tpu.memref_slice %arg5[%add3A_40, %dma_start3A_45] : memref<234x128xi32, #tpu.memory_space<vmem>> -> memref<1x128xi32, #tpu.memory_space<vmem>>
      %dma_start3A_47 = tpu.memref_squeeze %dma_start3A_46 : memref<1x128xi32, #tpu.memory_space<vmem>> -> memref<128xi32, #tpu.memory_space<vmem>>
      %dma_start3A_48 = arith.constant 0 : i32
      %dma_start3A_49 = tpu.memref_slice %arg2[%dma_start3A_48] : memref<60817408xf32, #tpu.memory_space<hbm>> -> memref<60817408xf32, #tpu.memory_space<hbm>>
      tpu.enqueue_indirect_dma source(%dma_start3A_49 : memref<60817408xf32, #tpu.memory_space<hbm>>) target(%dma_start3A_44 : memref<128xf32, #tpu.memory_space<vmem>>) offsets(%dma_start3A_47 : memref<128xi32, #tpu.memory_space<vmem>>) semaphore(%arg7 : memref<!tpu.dma_semaphore, #tpu.memory_space<semaphore_mem>>)
      %mul3A_50 = arith.constant 13 : i32
      %mul3A_51 = arith.muli %scan3A_11, %mul3A_50 : i32
      %add3A_52 = arith.constant 3 : i32
      %add3A_53 = arith.addi %mul3A_51, %add3A_52 : i32
      %mul3A_54 = arith.constant 128 : i32
      %mul3A_55 = arith.muli %add3A_53, %mul3A_54 : i32
      %multiple_of3A_56 = tpu.assume_multiple %mul3A_55, 128 : i32
      %dma_start3A_57 = tpu.memref_slice %arg6[%multiple_of3A_56] : memref<29952xf32, #tpu.memory_space<vmem>> -> memref<128xf32, #tpu.memory_space<vmem>>
      %dma_start3A_58 = arith.constant 0 : i32
      %dma_start3A_59 = tpu.memref_slice %arg5[%add3A_53, %dma_start3A_58] : memref<234x128xi32, #tpu.memory_space<vmem>> -> memref<1x128xi32, #tpu.memory_space<vmem>>
      %dma_start3A_60 = tpu.memref_squeeze %dma_start3A_59 : memref<1x128xi32, #tpu.memory_space<vmem>> -> memref<128xi32, #tpu.memory_space<vmem>>
      %dma_start3A_61 = arith.constant 0 : i32
      %dma_start3A_62 = tpu.memref_slice %arg2[%dma_start3A_61] : memref<60817408xf32, #tpu.memory_space<hbm>> -> memref<60817408xf32, #tpu.memory_space<hbm>>
      tpu.enqueue_indirect_dma source(%dma_start3A_62 : memref<60817408xf32, #tpu.memory_space<hbm>>) target(%dma_start3A_57 : memref<128xf32, #tpu.memory_space<vmem>>) offsets(%dma_start3A_60 : memref<128xi32, #tpu.memory_space<vmem>>) semaphore(%arg7 : memref<!tpu.dma_semaphore, #tpu.memory_space<semaphore_mem>>)
      %mul3A_63 = arith.constant 13 : i32
      %mul3A_64 = arith.muli %scan3A_11, %mul3A_63 : i32
      %add3A_65 = arith.constant 4 : i32
      %add3A_66 = arith.addi %mul3A_64, %add3A_65 : i32
      %mul3A_67 = arith.constant 128 : i32
      %mul3A_68 = arith.muli %add3A_66, %mul3A_67 : i32
      %multiple_of3A_69 = tpu.assume_multiple %mul3A_68, 128 : i32
      %dma_start3A_70 = tpu.memref_slice %arg6[%multiple_of3A_69] : memref<29952xf32, #tpu.memory_space<vmem>> -> memref<128xf32, #tpu.memory_space<vmem>>
      %dma_start3A_71 = arith.constant 0 : i32
      %dma_start3A_72 = tpu.memref_slice %arg5[%add3A_66, %dma_start3A_71] : memref<234x128xi32, #tpu.memory_space<vmem>> -> memref<1x128xi32, #tpu.memory_space<vmem>>
      %dma_start3A_73 = tpu.memref_squeeze %dma_start3A_72 : memref<1x128xi32, #tpu.memory_space<vmem>> -> memref<128xi32, #tpu.memory_space<vmem>>
      %dma_start3A_74 = arith.constant 0 : i32
      %dma_start3A_75 = tpu.memref_slice %arg2[%dma_start3A_74] : memref<60817408xf32, #tpu.memory_space<hbm>> -> memref<60817408xf32, #tpu.memory_space<hbm>>
      tpu.enqueue_indirect_dma source(%dma_start3A_75 : memref<60817408xf32, #tpu.memory_space<hbm>>) target(%dma_start3A_70 : memref<128xf32, #tpu.memory_space<vmem>>) offsets(%dma_start3A_73 : memref<128xi32, #tpu.memory_space<vmem>>) semaphore(%arg7 : memref<!tpu.dma_semaphore, #tpu.memory_space<semaphore_mem>>)
      %mul3A_76 = arith.constant 13 : i32
      %mul3A_77 = arith.muli %scan3A_11, %mul3A_76 : i32
      %add3A_78 = arith.constant 5 : i32
      %add3A_79 = arith.addi %mul3A_77, %add3A_78 : i32
      %mul3A_80 = arith.constant 128 : i32
      %mul3A_81 = arith.muli %add3A_79, %mul3A_80 : i32
      %multiple_of3A_82 = tpu.assume_multiple %mul3A_81, 128 : i32
      %dma_start3A_83 = tpu.memref_slice %arg6[%multiple_of3A_82] : memref<29952xf32, #tpu.memory_space<vmem>> -> memref<128xf32, #tpu.memory_space<vmem>>
      %dma_start3A_84 = arith.constant 0 : i32
      %dma_start3A_85 = tpu.memref_slice %arg5[%add3A_79, %dma_start3A_84] : memref<234x128xi32, #tpu.memory_space<vmem>> -> memref<1x128xi32, #tpu.memory_space<vmem>>
      %dma_start3A_86 = tpu.memref_squeeze %dma_start3A_85 : memref<1x128xi32, #tpu.memory_space<vmem>> -> memref<128xi32, #tpu.memory_space<vmem>>
      %dma_start3A_87 = arith.constant 0 : i32
      %dma_start3A_88 = tpu.memref_slice %arg2[%dma_start3A_87] : memref<60817408xf32, #tpu.memory_space<hbm>> -> memref<60817408xf32, #tpu.memory_space<hbm>>
      tpu.enqueue_indirect_dma source(%dma_start3A_88 : memref<60817408xf32, #tpu.memory_space<hbm>>) target(%dma_start3A_83 : memref<128xf32, #tpu.memory_space<vmem>>) offsets(%dma_start3A_86 : memref<128xi32, #tpu.memory_space<vmem>>) semaphore(%arg7 : memref<!tpu.dma_semaphore, #tpu.memory_space<semaphore_mem>>)
      %mul3A_89 = arith.constant 13 : i32
      %mul3A_90 = arith.muli %scan3A_11, %mul3A_89 : i32
      %add3A_91 = arith.constant 6 : i32
      %add3A_92 = arith.addi %mul3A_90, %add3A_91 : i32
      %mul3A_93 = arith.constant 128 : i32
      %mul3A_94 = arith.muli %add3A_92, %mul3A_93 : i32
      %multiple_of3A_95 = tpu.assume_multiple %mul3A_94, 128 : i32
      %dma_start3A_96 = tpu.memref_slice %arg6[%multiple_of3A_95] : memref<29952xf32, #tpu.memory_space<vmem>> -> memref<128xf32, #tpu.memory_space<vmem>>
      %dma_start3A_97 = arith.constant 0 : i32
      %dma_start3A_98 = tpu.memref_slice %arg5[%add3A_92, %dma_start3A_97] : memref<234x128xi32, #tpu.memory_space<vmem>> -> memref<1x128xi32, #tpu.memory_space<vmem>>
      %dma_start3A_99 = tpu.memref_squeeze %dma_start3A_98 : memref<1x128xi32, #tpu.memory_space<vmem>> -> memref<128xi32, #tpu.memory_space<vmem>>
      %dma_start3A_100 = arith.constant 0 : i32
      %dma_start3A_101 = tpu.memref_slice %arg2[%dma_start3A_100] : memref<60817408xf32, #tpu.memory_space<hbm>> -> memref<60817408xf32, #tpu.memory_space<hbm>>
      tpu.enqueue_indirect_dma source(%dma_start3A_101 : memref<60817408xf32, #tpu.memory_space<hbm>>) target(%dma_start3A_96 : memref<128xf32, #tpu.memory_space<vmem>>) offsets(%dma_start3A_99 : memref<128xi32, #tpu.memory_space<vmem>>) semaphore(%arg7 : memref<!tpu.dma_semaphore, #tpu.memory_space<semaphore_mem>>)
      %mul3A_102 = arith.constant 13 : i32
      %mul3A_103 = arith.muli %scan3A_11, %mul3A_102 : i32
      %add3A_104 = arith.constant 7 : i32
      %add3A_105 = arith.addi %mul3A_103, %add3A_104 : i32
      %mul3A_106 = arith.constant 128 : i32
      %mul3A_107 = arith.muli %add3A_105, %mul3A_106 : i32
      %multiple_of3A_108 = tpu.assume_multiple %mul3A_107, 128 : i32
      %dma_start3A_109 = tpu.memref_slice %arg6[%multiple_of3A_108] : memref<29952xf32, #tpu.memory_space<vmem>> -> memref<128xf32, #tpu.memory_space<vmem>>
      %dma_start3A_110 = arith.constant 0 : i32
      %dma_start3A_111 = tpu.memref_slice %arg5[%add3A_105, %dma_start3A_110] : memref<234x128xi32, #tpu.memory_space<vmem>> -> memref<1x128xi32, #tpu.memory_space<vmem>>
      %dma_start3A_112 = tpu.memref_squeeze %dma_start3A_111 : memref<1x128xi32, #tpu.memory_space<vmem>> -> memref<128xi32, #tpu.memory_space<vmem>>
      %dma_start3A_113 = arith.constant 0 : i32
      %dma_start3A_114 = tpu.memref_slice %arg2[%dma_start3A_113] : memref<60817408xf32, #tpu.memory_space<hbm>> -> memref<60817408xf32, #tpu.memory_space<hbm>>
      tpu.enqueue_indirect_dma source(%dma_start3A_114 : memref<60817408xf32, #tpu.memory_space<hbm>>) target(%dma_start3A_109 : memref<128xf32, #tpu.memory_space<vmem>>) offsets(%dma_start3A_112 : memref<128xi32, #tpu.memory_space<vmem>>) semaphore(%arg7 : memref<!tpu.dma_semaphore, #tpu.memory_space<semaphore_mem>>)
      %mul3A_115 = arith.constant 13 : i32
      %mul3A_116 = arith.muli %scan3A_11, %mul3A_115 : i32
      %add3A_117 = arith.constant 8 : i32
      %add3A_118 = arith.addi %mul3A_116, %add3A_117 : i32
      %mul3A_119 = arith.constant 128 : i32
      %mul3A_120 = arith.muli %add3A_118, %mul3A_119 : i32
      %multiple_of3A_121 = tpu.assume_multiple %mul3A_120, 128 : i32
      %dma_start3A_122 = tpu.memref_slice %arg6[%multiple_of3A_121] : memref<29952xf32, #tpu.memory_space<vmem>> -> memref<128xf32, #tpu.memory_space<vmem>>
      %dma_start3A_123 = arith.constant 0 : i32
      %dma_start3A_124 = tpu.memref_slice %arg5[%add3A_118, %dma_start3A_123] : memref<234x128xi32, #tpu.memory_space<vmem>> -> memref<1x128xi32, #tpu.memory_space<vmem>>
      %dma_start3A_125 = tpu.memref_squeeze %dma_start3A_124 : memref<1x128xi32, #tpu.memory_space<vmem>> -> memref<128xi32, #tpu.memory_space<vmem>>
      %dma_start3A_126 = arith.constant 0 : i32
      %dma_start3A_127 = tpu.memref_slice %arg2[%dma_start3A_126] : memref<60817408xf32, #tpu.memory_space<hbm>> -> memref<60817408xf32, #tpu.memory_space<hbm>>
      tpu.enqueue_indirect_dma source(%dma_start3A_127 : memref<60817408xf32, #tpu.memory_space<hbm>>) target(%dma_start3A_122 : memref<128xf32, #tpu.memory_space<vmem>>) offsets(%dma_start3A_125 : memref<128xi32, #tpu.memory_space<vmem>>) semaphore(%arg7 : memref<!tpu.dma_semaphore, #tpu.memory_space<semaphore_mem>>)
      %mul3A_128 = arith.constant 13 : i32
      %mul3A_129 = arith.muli %scan3A_11, %mul3A_128 : i32
      %add3A_130 = arith.constant 9 : i32
      %add3A_131 = arith.addi %mul3A_129, %add3A_130 : i32
      %mul3A_132 = arith.constant 128 : i32
      %mul3A_133 = arith.muli %add3A_131, %mul3A_132 : i32
      %multiple_of3A_134 = tpu.assume_multiple %mul3A_133, 128 : i32
      %dma_start3A_135 = tpu.memref_slice %arg6[%multiple_of3A_134] : memref<29952xf32, #tpu.memory_space<vmem>> -> memref<128xf32, #tpu.memory_space<vmem>>
      %dma_start3A_136 = arith.constant 0 : i32
      %dma_start3A_137 = tpu.memref_slice %arg5[%add3A_131, %dma_start3A_136] : memref<234x128xi32, #tpu.memory_space<vmem>> -> memref<1x128xi32, #tpu.memory_space<vmem>>
      %dma_start3A_138 = tpu.memref_squeeze %dma_start3A_137 : memref<1x128xi32, #tpu.memory_space<vmem>> -> memref<128xi32, #tpu.memory_space<vmem>>
      %dma_start3A_139 = arith.constant 0 : i32
      %dma_start3A_140 = tpu.memref_slice %arg2[%dma_start3A_139] : memref<60817408xf32, #tpu.memory_space<hbm>> -> memref<60817408xf32, #tpu.memory_space<hbm>>
      tpu.enqueue_indirect_dma source(%dma_start3A_140 : memref<60817408xf32, #tpu.memory_space<hbm>>) target(%dma_start3A_135 : memref<128xf32, #tpu.memory_space<vmem>>) offsets(%dma_start3A_138 : memref<128xi32, #tpu.memory_space<vmem>>) semaphore(%arg7 : memref<!tpu.dma_semaphore, #tpu.memory_space<semaphore_mem>>)
      %mul3A_141 = arith.constant 13 : i32
      %mul3A_142 = arith.muli %scan3A_11, %mul3A_141 : i32
      %add3A_143 = arith.constant 10 : i32
      %add3A_144 = arith.addi %mul3A_142, %add3A_143 : i32
      %mul3A_145 = arith.constant 128 : i32
      %mul3A_146 = arith.muli %add3A_144, %mul3A_145 : i32
      %multiple_of3A_147 = tpu.assume_multiple %mul3A_146, 128 : i32
      %dma_start3A_148 = tpu.memref_slice %arg6[%multiple_of3A_147] : memref<29952xf32, #tpu.memory_space<vmem>> -> memref<128xf32, #tpu.memory_space<vmem>>
      %dma_start3A_149 = arith.constant 0 : i32
      %dma_start3A_150 = tpu.memref_slice %arg5[%add3A_144, %dma_start3A_149] : memref<234x128xi32, #tpu.memory_space<vmem>> -> memref<1x128xi32, #tpu.memory_space<vmem>>
      %dma_start3A_151 = tpu.memref_squeeze %dma_start3A_150 : memref<1x128xi32, #tpu.memory_space<vmem>> -> memref<128xi32, #tpu.memory_space<vmem>>
      %dma_start3A_152 = arith.constant 0 : i32
      %dma_start3A_153 = tpu.memref_slice %arg2[%dma_start3A_152] : memref<60817408xf32, #tpu.memory_space<hbm>> -> memref<60817408xf32, #tpu.memory_space<hbm>>
      tpu.enqueue_indirect_dma source(%dma_start3A_153 : memref<60817408xf32, #tpu.memory_space<hbm>>) target(%dma_start3A_148 : memref<128xf32, #tpu.memory_space<vmem>>) offsets(%dma_start3A_151 : memref<128xi32, #tpu.memory_space<vmem>>) semaphore(%arg7 : memref<!tpu.dma_semaphore, #tpu.memory_space<semaphore_mem>>)
      %mul3A_154 = arith.constant 13 : i32
      %mul3A_155 = arith.muli %scan3A_11, %mul3A_154 : i32
      %add3A_156 = arith.constant 11 : i32
      %add3A_157 = arith.addi %mul3A_155, %add3A_156 : i32
      %mul3A_158 = arith.constant 128 : i32
      %mul3A_159 = arith.muli %add3A_157, %mul3A_158 : i32
      %multiple_of3A_160 = tpu.assume_multiple %mul3A_159, 128 : i32
      %dma_start3A_161 = tpu.memref_slice %arg6[%multiple_of3A_160] : memref<29952xf32, #tpu.memory_space<vmem>> -> memref<128xf32, #tpu.memory_space<vmem>>
      %dma_start3A_162 = arith.constant 0 : i32
      %dma_start3A_163 = tpu.memref_slice %arg5[%add3A_157, %dma_start3A_162] : memref<234x128xi32, #tpu.memory_space<vmem>> -> memref<1x128xi32, #tpu.memory_space<vmem>>
      %dma_start3A_164 = tpu.memref_squeeze %dma_start3A_163 : memref<1x128xi32, #tpu.memory_space<vmem>> -> memref<128xi32, #tpu.memory_space<vmem>>
      %dma_start3A_165 = arith.constant 0 : i32
      %dma_start3A_166 = tpu.memref_slice %arg2[%dma_start3A_165] : memref<60817408xf32, #tpu.memory_space<hbm>> -> memref<60817408xf32, #tpu.memory_space<hbm>>
      tpu.enqueue_indirect_dma source(%dma_start3A_166 : memref<60817408xf32, #tpu.memory_space<hbm>>) target(%dma_start3A_161 : memref<128xf32, #tpu.memory_space<vmem>>) offsets(%dma_start3A_164 : memref<128xi32, #tpu.memory_space<vmem>>) semaphore(%arg7 : memref<!tpu.dma_semaphore, #tpu.memory_space<semaphore_mem>>)
      %mul3A_167 = arith.constant 13 : i32
      %mul3A_168 = arith.muli %scan3A_11, %mul3A_167 : i32
      %add3A_169 = arith.constant 12 : i32
      %add3A_170 = arith.addi %mul3A_168, %add3A_169 : i32
      %mul3A_171 = arith.constant 128 : i32
      %mul3A_172 = arith.muli %add3A_170, %mul3A_171 : i32
      %multiple_of3A_173 = tpu.assume_multiple %mul3A_172, 128 : i32
      %dma_start3A_174 = tpu.memref_slice %arg6[%multiple_of3A_173] : memref<29952xf32, #tpu.memory_space<vmem>> -> memref<128xf32, #tpu.memory_space<vmem>>
      %dma_start3A_175 = arith.constant 0 : i32
      %dma_start3A_176 = tpu.memref_slice %arg5[%add3A_170, %dma_start3A_175] : memref<234x128xi32, #tpu.memory_space<vmem>> -> memref<1x128xi32, #tpu.memory_space<vmem>>
      %dma_start3A_177 = tpu.memref_squeeze %dma_start3A_176 : memref<1x128xi32, #tpu.memory_space<vmem>> -> memref<128xi32, #tpu.memory_space<vmem>>
      %dma_start3A_178 = arith.constant 0 : i32
      %dma_start3A_179 = tpu.memref_slice %arg2[%dma_start3A_178] : memref<60817408xf32, #tpu.memory_space<hbm>> -> memref<60817408xf32, #tpu.memory_space<hbm>>
      tpu.enqueue_indirect_dma source(%dma_start3A_179 : memref<60817408xf32, #tpu.memory_space<hbm>>) target(%dma_start3A_174 : memref<128xf32, #tpu.memory_space<vmem>>) offsets(%dma_start3A_177 : memref<128xi32, #tpu.memory_space<vmem>>) semaphore(%arg7 : memref<!tpu.dma_semaphore, #tpu.memory_space<semaphore_mem>>)
    }
    %scan3A_5 = arith.constant 18 : i32
    %dma_wait3A = arith.constant 0 : i32
    %dma_wait3A_6 = tpu.memref_slice %arg4[%dma_wait3A] : memref<958464xf32, #tpu.memory_space<hbm>> -> memref<29952xf32, #tpu.memory_space<hbm>>
    %dma_wait3A_7 = arith.constant 0 : i32
    %dma_wait3A_8 = tpu.memref_slice %arg4[%dma_wait3A_7] : memref<958464xf32, #tpu.memory_space<hbm>> -> memref<29952xf32, #tpu.memory_space<hbm>>
    tpu.wait_dma2 semaphore(%arg7 : memref<!tpu.dma_semaphore, #tpu.memory_space<semaphore_mem>>) src(%dma_wait3A_8 : memref<29952xf32, #tpu.memory_space<hbm>>) dst(%arg6 : memref<29952xf32, #tpu.memory_space<vmem>>)
    %mul3A_9 = arith.constant 29952 : i32
    %mul3A_10 = arith.muli %add3A, %mul3A_9 : i32
    %multiple_of3A = tpu.assume_multiple %mul3A_10, 29952 : i32
    "tpu.region"() ({
      %run_scoped3A = tpu.sem_alloc : memref<!tpu.dma_semaphore, #tpu.memory_space<semaphore_mem>>
      %dma_start3A = tpu.memref_slice %arg4[%multiple_of3A] : memref<958464xf32, #tpu.memory_space<hbm>> -> memref<29952xf32, #tpu.memory_space<hbm>>
      %dma_start3A_11 = tpu.memref_slice %arg4[%multiple_of3A] : memref<958464xf32, #tpu.memory_space<hbm>> -> memref<29952xf32, #tpu.memory_space<hbm>>
      tpu.enqueue_dma source(%arg6 : memref<29952xf32, #tpu.memory_space<vmem>>) target(%dma_start3A_11 : memref<29952xf32, #tpu.memory_space<hbm>>) target_semaphore(%run_scoped3A : memref<!tpu.dma_semaphore, #tpu.memory_space<semaphore_mem>>)
      %dma_wait3A_12 = tpu.memref_slice %arg4[%multiple_of3A] : memref<958464xf32, #tpu.memory_space<hbm>> -> memref<29952xf32, #tpu.memory_space<hbm>>
      %dma_wait3A_13 = tpu.memref_slice %arg4[%multiple_of3A] : memref<958464xf32, #tpu.memory_space<hbm>> -> memref<29952xf32, #tpu.memory_space<hbm>>
      tpu.wait_dma2 semaphore(%run_scoped3A : memref<!tpu.dma_semaphore, #tpu.memory_space<semaphore_mem>>) src(%arg6 : memref<29952xf32, #tpu.memory_space<vmem>>) dst(%dma_wait3A_13 : memref<29952xf32, #tpu.memory_space<hbm>>)
      tpu.yield
    }) : () -> ()
    return
  }
}

module attributes {stable_mosaic.version = 14 : i64} {
  func.func @_sim_body(%arg0: i32, %arg1: i32, %arg2: memref<256x512xf32, #tpu.memory_space<vmem>>, %arg3: memref<1024x512xf32, #tpu.memory_space<vmem>>, %arg4: memref<32x64x128xf32, #tpu.memory_space<vmem>>) attributes {dimension_semantics = [#tpu.dimension_semantics<arbitrary>, #tpu.dimension_semantics<arbitrary>], iteration_bounds = array<i64: 8, 29>, scalar_prefetch = 0 : i64, scratch_operands = 0 : i64, tpu.core_type = #tpu.core_type<tc>, window_params = [{transform_indices = @transform_0, window_bounds = array<i64: 256, 512>}, {transform_indices = @transform_1, window_bounds = array<i64: 1024, 512>}, {transform_indices = @transform_2, window_bounds = array<i64: 32, 64, 128>}]} {
    %get3A = arith.constant 0 : index
    %get3A_0 = arith.constant 0 : index
    %get3A_1 = vector.load %arg2[%get3A, %get3A_0] : memref<256x512xf32, #tpu.memory_space<vmem>>, vector<256x512xf32>
    %get3A_2 = arith.constant 0 : index
    %get3A_3 = arith.constant 0 : index
    %get3A_4 = vector.load %arg3[%get3A_2, %get3A_3] : memref<1024x512xf32, #tpu.memory_space<vmem>>, vector<1024x512xf32>
    %mul3A = arith.mulf %get3A_1, %get3A_1 : vector<256x512xf32>
    %reduce_sum3A = arith.constant dense<0.000000e+00> : vector<256xf32>
    %reduce_sum3A_5 = vector.multi_reduction <add>, %mul3A, %reduce_sum3A [1] : vector<256x512xf32> to vector<256xf32>
    %broadcast_in_dim3A = vector.shape_cast %reduce_sum3A_5 : vector<256xf32> to vector<256x1xf32>
    %sqrt3A = math.sqrt %broadcast_in_dim3A : vector<256x1xf32>
    %max3A = arith.constant 9.99999996E-13 : f32
    %max3A_6 = vector.broadcast %max3A : f32 to vector<256x1xf32>
    %max3A_7 = arith.maximumf %sqrt3A, %max3A_6 : vector<256x1xf32>
    %div3A = vector.broadcast %max3A_7 : vector<256x1xf32> to vector<256x512xf32>
    %div3A_8 = arith.divf %get3A_1, %div3A : vector<256x512xf32>
    %mul3A_9 = arith.mulf %get3A_4, %get3A_4 : vector<1024x512xf32>
    %reduce_sum3A_10 = arith.constant dense<0.000000e+00> : vector<1024xf32>
    %reduce_sum3A_11 = vector.multi_reduction <add>, %mul3A_9, %reduce_sum3A_10 [1] : vector<1024x512xf32> to vector<1024xf32>
    %broadcast_in_dim3A_12 = vector.shape_cast %reduce_sum3A_11 : vector<1024xf32> to vector<1024x1xf32>
    %sqrt3A_13 = math.sqrt %broadcast_in_dim3A_12 : vector<1024x1xf32>
    %max3A_14 = arith.constant 9.99999996E-13 : f32
    %max3A_15 = vector.broadcast %max3A_14 : f32 to vector<1024x1xf32>
    %max3A_16 = arith.maximumf %sqrt3A_13, %max3A_15 : vector<1024x1xf32>
    %div3A_17 = vector.broadcast %max3A_16 : vector<1024x1xf32> to vector<1024x512xf32>
    %div3A_18 = arith.divf %get3A_4, %div3A_17 : vector<1024x512xf32>
    %convert_element_type3A = arith.truncf %div3A_8 : vector<256x512xf32> to vector<256x512xbf16>
    %convert_element_type3A_19 = arith.extf %convert_element_type3A : vector<256x512xbf16> to vector<256x512xf32>
    %sub3A = arith.subf %div3A_8, %convert_element_type3A_19 : vector<256x512xf32>
    %convert_element_type3A_20 = arith.truncf %sub3A : vector<256x512xf32> to vector<256x512xbf16>
    %convert_element_type3A_21 = arith.truncf %div3A_18 : vector<1024x512xf32> to vector<1024x512xbf16>
    %convert_element_type3A_22 = arith.extf %convert_element_type3A_21 : vector<1024x512xbf16> to vector<1024x512xf32>
    %sub3A_23 = arith.subf %div3A_18, %convert_element_type3A_22 : vector<1024x512xf32>
    %convert_element_type3A_24 = arith.truncf %sub3A_23 : vector<1024x512xf32> to vector<1024x512xbf16>
    %dot_general3A = arith.constant dense<0.000000e+00> : vector<256x1024xf32>
    %dot_general3A_25 = tpu.matmul %convert_element_type3A, %convert_element_type3A_21, %dot_general3A {dimension_numbers = #tpu.dot_dimension_numbers<[1], [1], [0], [0], [0, 0, 1, 0], [], []>, transpose_lhs_hint = false} : vector<256x512xbf16>, vector<1024x512xbf16>, vector<256x1024xf32> -> vector<256x1024xf32>
    %dot_general3A_26 = arith.constant dense<0.000000e+00> : vector<256x1024xf32>
    %dot_general3A_27 = tpu.matmul %convert_element_type3A, %convert_element_type3A_24, %dot_general3A_26 {dimension_numbers = #tpu.dot_dimension_numbers<[1], [1], [0], [0], [0, 0, 1, 0], [], []>, transpose_lhs_hint = false} : vector<256x512xbf16>, vector<1024x512xbf16>, vector<256x1024xf32> -> vector<256x1024xf32>
    %dot_general3A_28 = arith.constant dense<0.000000e+00> : vector<256x1024xf32>
    %dot_general3A_29 = tpu.matmul %convert_element_type3A_20, %convert_element_type3A_21, %dot_general3A_28 {dimension_numbers = #tpu.dot_dimension_numbers<[1], [1], [0], [0], [0, 0, 1, 0], [], []>, transpose_lhs_hint = false} : vector<256x512xbf16>, vector<1024x512xbf16>, vector<256x1024xf32> -> vector<256x1024xf32>
    %add3A = arith.addf %dot_general3A_27, %dot_general3A_29 : vector<256x1024xf32>
    %add3A_30 = arith.addf %dot_general3A_25, %add3A : vector<256x1024xf32>
    %reshape3A = vector.shape_cast %add3A_30 : vector<256x1024xf32> to vector<32x8x8x128xf32>
    %transpose3A = tpu.transpose %reshape3A, [0, 2, 1, 3] : vector<32x8x8x128xf32> -> vector<32x8x8x128xf32>
    %reshape3A_31 = vector.shape_cast %transpose3A : vector<32x8x8x128xf32> to vector<32x64x128xf32>
    %swap3A = arith.constant 0 : index
    %swap3A_32 = arith.constant 0 : index
    %swap3A_33 = arith.constant 0 : index
    %swap3A_34 = vector.load %arg4[%swap3A, %swap3A_32, %swap3A_33] : memref<32x64x128xf32, #tpu.memory_space<vmem>>, vector<32x64x128xf32>
    tpu.vector_store %arg4[%swap3A, %swap3A_32, %swap3A_33], %reshape3A_31 {strides = array<i32>} : memref<32x64x128xf32, #tpu.memory_space<vmem>>, vector<32x64x128xf32>,
    return
  }
  func.func @transform_0(%arg0: i32, %arg1: i32) -> (i32, i32) {
    %c0_i32 = arith.constant 0 : i32
    %c0_i32_0 = arith.constant 0 : i32
    return %arg1, %c0_i32 : i32, i32
  }
  func.func @transform_1(%arg0: i32, %arg1: i32) -> (i32, i32) {
    %c0_i32 = arith.constant 0 : i32
    %c0_i32_0 = arith.constant 0 : i32
    return %arg0, %c0_i32 : i32, i32
  }
  func.func @transform_2(%arg0: i32, %arg1: i32) -> (i32, i32, i32) {
    %c0_i32 = arith.constant 0 : i32
    %c0_i32_0 = arith.constant 0 : i32
    return %arg1, %arg0, %c0_i32 : i32, i32, i32
  }
}

module attributes {stable_mosaic.version = 14 : i64} {
  func.func @_loss_body(%arg0: i32, %arg1: memref<128x129xf32, #tpu.memory_space<vmem>>, %arg2: memref<1x1xf32, #tpu.memory_space<smem>>, %arg3: memref<1x1xf32, #tpu.memory_space<smem>>) attributes {dimension_semantics = [#tpu.dimension_semantics<arbitrary>], iteration_bounds = array<i64: 58>, scalar_prefetch = 0 : i64, scratch_operands = 0 : i64, tpu.core_type = #tpu.core_type<tc>, window_params = [{transform_indices = @transform_0, window_bounds = array<i64: 128, 129>}, {transform_indices = @transform_1, window_bounds = array<i64: 1, 1>}, {transform_indices = @transform_2, window_bounds = array<i64: 1, 1>}]} {
    %get3A = arith.constant 0 : index
    %get3A_0 = arith.constant 0 : index
    %get3A_1 = vector.load %arg1[%get3A, %get3A_0] : memref<128x129xf32, #tpu.memory_space<vmem>>, vector<128x129xf32>
    %mul3A = arith.constant 14.2857141 : f32
    %mul3A_2 = vector.broadcast %mul3A : f32 to vector<128x129xf32>
    %mul3A_3 = arith.mulf %get3A_1, %mul3A_2 : vector<128x129xf32>
    %slice3A = vector.extract_strided_slice %mul3A_3 {offsets = [0, 0], sizes = [128, 1], strides = [1, 1]} : vector<128x129xf32> to vector<128x1xf32>
    %slice3A_4 = vector.extract_strided_slice %mul3A_3 {offsets = [0, 1], sizes = [128, 128], strides = [1, 1]} : vector<128x129xf32> to vector<128x128xf32>
    %reduce_max3A = arith.constant dense<0xFF800000> : vector<128xf32>
    %reduce_max3A_5 = vector.multi_reduction <maximumf>, %slice3A_4, %reduce_max3A [1] : vector<128x128xf32> to vector<128xf32>
    %broadcast_in_dim3A = vector.shape_cast %reduce_max3A_5 : vector<128xf32> to vector<128x1xf32>
    %max3A = arith.maximumf %broadcast_in_dim3A, %slice3A : vector<128x1xf32>
    %sub3A = vector.broadcast %max3A : vector<128x1xf32> to vector<128x129xf32>
    %sub3A_6 = arith.subf %mul3A_3, %sub3A : vector<128x129xf32>
    %exp3A = math.exp %sub3A_6 : vector<128x129xf32>
    %reduce_sum3A = arith.constant dense<0.000000e+00> : vector<128xf32>
    %reduce_sum3A_7 = vector.multi_reduction <add>, %exp3A, %reduce_sum3A [1] : vector<128x129xf32> to vector<128xf32>
    %broadcast_in_dim3A_8 = vector.shape_cast %reduce_sum3A_7 : vector<128xf32> to vector<128x1xf32>
    %log3A = math.log %broadcast_in_dim3A_8 : vector<128x1xf32>
    %add3A = arith.addf %max3A, %log3A : vector<128x1xf32>
    %sub3A_9 = arith.subf %add3A, %slice3A : vector<128x1xf32>
    %reduce_sum3A_10 = vector.shape_cast %sub3A_9 : vector<128x1xf32> to vector<1x128x1xf32>
    %reduce_sum3A_11 = arith.constant dense<0.000000e+00> : vector<1xf32>
    %reduce_sum3A_12 = vector.multi_reduction <add>, %reduce_sum3A_10, %reduce_sum3A_11 [1, 2] : vector<1x128x1xf32> to vector<1xf32>
    %reduce_sum3A_13 = vector.shape_cast %reduce_sum3A_12 : vector<1xf32> to vector<1x1x1xf32>
    %reduce_sum3A_14 = vector.extract %reduce_sum3A_13[0, 0, 0] : f32 from vector<1x1x1xf32>
    %mul3A_15 = arith.constant 1.562500e-02 : f32
    %mul3A_16 = arith.mulf %reduce_sum3A_14, %mul3A_15 : f32
    %ge3A = arith.cmpf oge, %slice3A, %broadcast_in_dim3A : vector<128x1xf32>
    %convert_element_type3A = arith.extui %ge3A : vector<128x1xi1> to vector<128x1xi32>
    %convert_element_type3A_17 = arith.sitofp %convert_element_type3A : vector<128x1xi32> to vector<128x1xf32>
    %reduce_sum3A_18 = vector.shape_cast %convert_element_type3A_17 : vector<128x1xf32> to vector<1x128x1xf32>
    %reduce_sum3A_19 = arith.constant dense<0.000000e+00> : vector<1xf32>
    %reduce_sum3A_20 = vector.multi_reduction <add>, %reduce_sum3A_18, %reduce_sum3A_19 [1, 2] : vector<1x128x1xf32> to vector<1xf32>
    %reduce_sum3A_21 = vector.shape_cast %reduce_sum3A_20 : vector<1xf32> to vector<1x1x1xf32>
    %reduce_sum3A_22 = vector.extract %reduce_sum3A_21[0, 0, 0] : f32 from vector<1x1x1xf32>
    %eq3A = arith.constant 0 : i32
    %eq3A_23 = arith.cmpi eq, %arg0, %eq3A : i32
    %convert_element_type3A_24 = arith.extui %eq3A_23 : i1 to i32
    %cond3A = arith.constant 0 : i32
    %cond3A_25 = arith.cmpi ne, %convert_element_type3A_24, %cond3A : i32
    scf.if %cond3A_25 {
      %swap3A_44 = arith.constant 0.000000e+00 : f32
      %swap3A_45 = arith.constant 0 : index
      %swap3A_46 = arith.constant 0 : index
      %swap3A_47 = memref.load %arg2[%swap3A_45, %swap3A_46] : memref<1x1xf32, #tpu.memory_space<smem>>
      memref.store %swap3A_44, %arg2[%swap3A_45, %swap3A_46] : memref<1x1xf32, #tpu.memory_space<smem>>
      %swap3A_48 = arith.constant 0.000000e+00 : f32
      %swap3A_49 = arith.constant 0 : index
      %swap3A_50 = arith.constant 0 : index
      %swap3A_51 = memref.load %arg3[%swap3A_49, %swap3A_50] : memref<1x1xf32, #tpu.memory_space<smem>>
      memref.store %swap3A_48, %arg3[%swap3A_49, %swap3A_50] : memref<1x1xf32, #tpu.memory_space<smem>>
    } else {
    }
    %get3A_26 = arith.constant 0 : index
    %get3A_27 = arith.constant 0 : index
    %get3A_28 = memref.load %arg2[%get3A_26, %get3A_27] : memref<1x1xf32, #tpu.memory_space<smem>>
    %add3A_29 = arith.addf %get3A_28, %mul3A_16 : f32
    %swap3A = arith.constant 0 : index
    %swap3A_30 = arith.constant 0 : index
    %swap3A_31 = memref.load %arg2[%swap3A, %swap3A_30] : memref<1x1xf32, #tpu.memory_space<smem>>
    memref.store %add3A_29, %arg2[%swap3A, %swap3A_30] : memref<1x1xf32, #tpu.memory_space<smem>>
    %get3A_32 = arith.constant 0 : index
    %get3A_33 = arith.constant 0 : index
    %get3A_34 = memref.load %arg3[%get3A_32, %get3A_33] : memref<1x1xf32, #tpu.memory_space<smem>>
    %add3A_35 = arith.addf %get3A_34, %reduce_sum3A_22 : f32
    %swap3A_36 = arith.constant 0 : index
    %swap3A_37 = arith.constant 0 : index
    %swap3A_38 = memref.load %arg3[%swap3A_36, %swap3A_37] : memref<1x1xf32, #tpu.memory_space<smem>>
    memref.store %add3A_35, %arg3[%swap3A_36, %swap3A_37] : memref<1x1xf32, #tpu.memory_space<smem>>
    %eq3A_39 = arith.constant 57 : i32
    %eq3A_40 = arith.cmpi eq, %arg0, %eq3A_39 : i32
    %convert_element_type3A_41 = arith.extui %eq3A_40 : i1 to i32
    %cond3A_42 = arith.constant 0 : i32
    %cond3A_43 = arith.cmpi ne, %convert_element_type3A_41, %cond3A_42 : i32
    scf.if %cond3A_43 {
      %get3A_44 = arith.constant 0 : index
      %get3A_45 = arith.constant 0 : index
      %get3A_46 = memref.load %arg3[%get3A_44, %get3A_45] : memref<1x1xf32, #tpu.memory_space<smem>>
      %mul3A_47 = arith.constant 1.34698275E-4 : f32
      %mul3A_48 = arith.mulf %get3A_46, %mul3A_47 : f32
      %swap3A_49 = arith.constant 0 : index
      %swap3A_50 = arith.constant 0 : index
      %swap3A_51 = memref.load %arg3[%swap3A_49, %swap3A_50] : memref<1x1xf32, #tpu.memory_space<smem>>
      memref.store %mul3A_48, %arg3[%swap3A_49, %swap3A_50] : memref<1x1xf32, #tpu.memory_space<smem>>
    } else {
    }
    return
  }
  func.func @transform_0(%arg0: i32) -> (i32, i32) {
    %c0_i32 = arith.constant 0 : i32
    %c0_i32_0 = arith.constant 0 : i32
    return %arg0, %c0_i32 : i32, i32
  }
  func.func @transform_1(%arg0: i32) -> (i32, i32) {
    %c0_i32 = arith.constant 0 : i32
    %c0_i32_0 = arith.constant 0 : i32
    %c0_i32_1 = arith.constant 0 : i32
    return %c0_i32, %c0_i32_0 : i32, i32
  }
  func.func @transform_2(%arg0: i32) -> (i32, i32) {
    %c0_i32 = arith.constant 0 : i32
    %c0_i32_0 = arith.constant 0 : i32
    %c0_i32_1 = arith.constant 0 : i32
    return %c0_i32, %c0_i32_0 : i32, i32
  }
}

</mosaic_0001>

<sc_bundles>
// kernel: kernel.5.cloned.1.call-start
scs
__scs_entry_jumppad:
0x0: {  	(pc) =	sbr.rel $0x88, $3  }
0x1: {  	(tag) =	ssettag $0x0;
	lr =	simm.s32 $0x1  }
0x2: {  	[smem:$0x3F9F] =	sst lr;
	_ =	strace $0xD0000000  }
0x3: {  	_ = 	snop  }
0x4: {  	_ = 	snop  }
0x5: {  	_ = 	snop  }
0x6: {  	_ = 	snop  }
0x7: {  	_ = 	snop  }
__scs_overlays_trampoline_lowered:
0x8: {  	[smem:$0x3FAE] =	sst s0  }
0x9: {  	[smem:$0x3FAF] =	sst s1  }
0xa: {  	[smem:$0x3FB0] =	sst s2  }
0xb: {  	[smem:$0x3FB1] =	sst s3  }
0xc: {  	[smem:$0x3FB2] =	sst s4  }
0xd: {  	[smem:$0x3FB3] =	sst s5  }
0xe: {  	[smem:$0x3FB4] =	sst s6  }
0xf: {  	[smem:$0x3FB5] =	sst s7  }
0x10: {  	[smem:$0x3FB6] =	sst s8  }
0x11: {  	[smem:$0x3FB7] =	sst s9;
	s0 =	simm.s32 @!p0 $0x0  }
0x12: {  	s1 =	sld [smem:$0x3F9D];
	s0 =	simm.s32 @p0 $0x1  }
0x13: {  	[smem:$0x3FB8] =	sst s0;
	s0 =	simm.s32 @!p1 $0x0  }
0x14: {  	s2 =	sld [smem:$0x3F9C];
	s0 =	simm.s32 @p1 $0x1  }
0x15: {  	[smem:$0x3FB9] =	sst s0;
	s0 =	simm.s32 @!p2 $0x0  }
0x16: {  	s3 =	sld [smem:$0x3FDB];
	s0 =	simm.s32 @p2 $0x1  }
0x17: {  	s4 =	simm.s32 $0x1BF5;
	[smem:$0x3FBB] =	sst s0  }
0x18: {  	s0 =	sld [smem:$0x3F9E];
	_ =	swait.ge [sflag:s4], $0x0  }
0x19: {  	s7 =	sld [smem:$0x3F9F]  }
0x1a: {  	s8 =	sadd.s32 $0xFFFFE003, lr  }
0x1b: {  	s9 =	sadd.s32 $0xFFFFFEF7, lr;
	s5 =	simm.s32 $0xFFFFFFFF;
	p2 =	slt.u32 s8, $0xFFFFF086  }
0x1c: {  	p1 =	slt.u32 s9, $0xF7A;
	s5 =	simm.s32 @!p2 $0x0  }
0x1d: {  	s5 =	simm.s32 @p1 $0x1;
	p0 =	seq.s32 s7, s2  }
0x1e: {  	s7 =	smul.u32 @!p0 $0xF7A, s2;
	p2 =	seq.s32 @!p0 s5, $0x0  }
0x1f: {  	s9 =	smul.u32 $0xF7A, s1;
	s8 =	simm.s32 @!p0 $0x1BF5;
	p2 =	por !p2, p0  }
0x20: {  	[sflag:s8] =	ssyncset.s32 @!p0 $0xFFFFF086;
	s6 =	sadd.s32 @!p0 s3, s7;
	s7 =	simm.s32 @!p0 $0x108  }
0x21: {  	s3 =	sadd.s32 s3, s9;
	s6 =	sadd.s32 @!p0 $0x88, s6;
	s7 =	simm.s32 @p2 $0x1082  }
0x22: {  	[simem:s7], [sflag:s8] =	dma.local @!p0 [hbm:s6], $0xF7A  }
0x23: {  	s9 =	sor.u32 $0xD0000000, s2;
	s6 =	simm.s32 $0x108;
	_ =	swait.ge @!p0 [sflag:s8], $0x0  }
0x24: {  	s3 =	sadd.s32 $0x88, s3;
	s6 =	simm.s32 @!p1 $0x1082;
	[sflag:s4] =	ssyncset.s32 $0xFFFFF086  }
0x25: {  	[simem:s6], [sflag:s4] =	dma.local [hbm:s3], $0xF7A  }
0x26: {  	[smem:$0x3F9F] =	sst s1;
	(tag) =	ssettag s2;
	_ =	strace s9  }
0x27: {  	s1 =	sld [smem:$0x3FAF]  }
0x28: {  	s2 =	sld [smem:$0x3FB0]  }
0x29: {  	s4 =	sld [smem:$0x3FB2]  }
0x2a: {  	p0 =	seq.s32 s5, $0x0;
	s5 =	sld [smem:$0x3FB3]  }
0x2b: {  	s6 =	sld [smem:$0x3FB4]  }
0x2c: {  	s7 =	sld [smem:$0x3FB5]  }
0x2d: {  	s3 =	simm.s32 $0x108;
	s8 =	sld [smem:$0x3FB6]  }
0x2e: {  	s3 =	simm.s32 @!p0 $0x1082;
	s9 =	sld [smem:$0x3FB7]  }
0x2f: {  	lr =	sadd.s32 s0, s3;
	s0 =	sld [smem:$0x3FAE]  }
0x30: {  	s3 =	sld [smem:$0x3FB1]  }
0x31: {  	[smem:$0x3FBA] =	sst s10  }
0x32: {  	s10 =	sld [smem:$0x3FB8];
	_ =	sdelay $0x3  }
0x33: {  	p0 =	seq.s32 s10, $0x1;
	s10 =	sld [smem:$0x3FBA];
	_ =	sdelay $0x3  }
0x34: {  	[smem:$0x3FBA] =	sst s10  }
0x35: {  	s10 =	sld [smem:$0x3FB9];
	_ =	sdelay $0x3  }
0x36: {  	p1 =	seq.s32 s10, $0x1;
	s10 =	sld [smem:$0x3FBA];
	_ =	sdelay $0x3  }
0x37: {  	[smem:$0x3FBA] =	sst s10  }
0x38: {  	s10 =	sld [smem:$0x3FBB]  }
0x39: {  	_ = 	snop;
	(pc) =	sbr.ind lr, $3  }
0x3a: {  	_ = 	snop  }
0x3b: {  	_ = 	snop  }
0x3c: {  	p2 =	seq.s32 s10, $0x1;
	s10 =	sld [smem:$0x3FBA]  }
0x3d: {  	_ =	shalt  }
0x3e: {  	_ =	shalt  }
0x3f: {  	_ =	shalt  }
0x40: {  	_ =	shalt  }
0x41: {  	_ =	shalt  }
0x42: {  	_ =	shalt  }
0x43: {  	_ =	shalt  }
0x44: {  	_ =	shalt  }
0x45: {  	_ =	shalt  }
0x46: {  	_ =	shalt  }
0x47: {  	_ =	shalt  }
0x48: {  	_ =	shalt  }
0x49: {  	_ =	shalt  }
0x4a: {  	_ =	shalt  }
0x4b: {  	_ =	shalt  }
0x4c: {  	_ =	shalt  }
0x4d: {  	_ =	shalt  }
0x4e: {  	_ =	shalt  }
0x4f: {  	_ =	shalt  }
0x50: {  	_ =	shalt  }
0x51: {  	_ =	shalt  }
0x52: {  	_ =	shalt  }
0x53: {  	_ =	shalt  }
0x54: {  	_ =	shalt  }
0x55: {  	_ =	shalt  }
0x56: {  	_ =	shalt  }
0x57: {  	_ =	shalt  }
0x58: {  	_ =	shalt  }
0x59: {  	_ =	shalt  }
0x5a: {  	_ =	shalt  }
0x5b: {  	_ =	shalt  }
0x5c: {  	_ =	shalt  }
0x5d: {  	_ =	shalt  }
0x5e: {  	_ =	shalt  }
0x5f: {  	_ =	shalt  }
0x60: {  	_ =	shalt  }
0x61: {  	_ =	shalt  }
0x62: {  	_ =	shalt  }
0x63: {  	_ =	shalt  }
0x64: {  	_ =	shalt  }
0x65: {  	_ =	shalt  }
0x66: {  	_ =	shalt  }
0x67: {  	_ =	shalt  }
0x68: {  	_ =	shalt  }
0x69: {  	_ =	shalt  }
0x6a: {  	_ =	shalt  }
0x6b: {  	_ =	shalt  }
0x6c: {  	_ =	shalt  }
0x6d: {  	_ =	shalt  }
0x6e: {  	_ =	shalt  }
0x6f: {  	_ =	shalt  }
0x70: {  	_ =	shalt  }
0x71: {  	_ =	shalt  }
0x72: {  	_ =	shalt  }
0x73: {  	_ =	shalt  }
0x74: {  	_ =	shalt  }
0x75: {  	_ =	shalt  }
0x76: {  	_ =	shalt  }
0x77: {  	_ =	shalt  }
0x78: {  	_ =	shalt  }
0x79: {  	_ =	shalt  }
0x7a: {  	_ =	shalt  }
0x7b: {  	_ =	shalt  }
0x7c: {  	_ =	shalt  }
0x7d: {  	_ =	shalt  }
0x7e: {  	_ =	shalt  }
0x7f: {  	_ =	shalt  }
0x80: {  	_ =	shalt  }
0x81: {  	_ =	shalt  }
0x82: {  	_ =	shalt  }
0x83: {  	_ =	shalt  }
0x84: {  	_ =	shalt  }
0x85: {  	_ =	shalt  }
0x86: {  	_ =	shalt  }
0x87: {  	_ =	shalt  }
.Lfunc_end0:
.L_simem_size_0:
called_computation_lowered:
.L_overlay_start_0:
0x88: {  	s2 =	sld [smem:$0x3FD9]  }
0x89: {  	s3 =	sld [smem:$0x3FFE];
	_ =	sdelay $0x1  }
0x8a: {  	s1 =	srdreg.scid  }
0x8b: {  	s0 =	sand.u32 $0x1, s1  }
0x8c: {  	s16 =	sshll.u32 s0, $0xA;
	s2 =	sadd.s32 s3, s2  }
0x8d: {  	s2 =	sadd.s32 s2, s16  }
0x8e: {  	[smem:$0x3FC6] =	sst s2  }
0x8f: {  	_ = 	snop  }
0x90: {  	(tm) =	ssettm $0x1  }
0x91: {  	s17 =	sld [smem:$0x3FFB];
	_ =	sdelay $0x3  }
0x92: {  	_ =	strace s17  }
0x93: {  	s2 =	sld [smem:$0x3FFC];
	_ =	sdelay $0x3  }
0x94: {  	_ =	strace s2  }
0x95: {  	s2 =	sld [smem:$0x3FFD];
	_ =	sdelay $0x3  }
0x96: {  	_ =	strace s2  }
0x97: {  	_ =	strace $0x8FFFFFFF  }
0x98: {  	s18 =	sld [smem:$0x3FDB];
	_ =	sdelay $0x1  }
0x99: {  	s19 =	simm.s32 $_scs_section_size  }
0x9a: {  	s4 =	simm.s32 $_size__tile_overlayer_lowered;
	s5 =	simm.s32 $_tile_overlayer_lowered  }
0x9b: {  	s22 =	simm.s32 $0x1BFF;
	s21 =	sshll.u32 s5, $0x1;
	s2 =	sadd.s32 s19, s18  }
0x9c: {  	s6 =	simm.s32 $0x0;
	s20 =	sshll.u32 s4, $0x1;
	s4 =	sadd.s32 s21, s2  }
0x9d: {  	[timem:s6], [sflag:s22] =	dma.local [hbm:s4], s20  }
0x9e: {  	_ =	swait.ge [sflag:s22], s20  }
0x9f: {  	s3 =	ssub.s32 $0x0, s20;
	[sflag:s22] =	ssyncset.done $0x0  }
0xa0: {  	[sflag:s22] =	ssyncadd.s32 s3;
	_ =	sdelay $0x1  }
0xa1: {  	s23 =	simm.s32 $0x1B8B  }
0xa2: {  	_ =	swait.ge [sflag:s23], $0x1  }
0xa3: {  	[sflag:s23] =	ssyncset.done $0x0  }
0xa4: {  	s25 =	simm.s32 $0x1B8E;
	s24 =	sld [smem:$0x3FFE];
	[sflag:s23] =	ssyncadd.s32 $0xFFFFFFFF  }
0xa5: {  	s26 =	simm.s32 $execute0_lowered;
	[smem:$0x3FD2] =	sst s25  }
0xa6: {  	s4 =	sshll.u32 s26, $0x1;
	_ =	strace $0x80000046;
	[dreg:$0x1] =	wrdreg $0xFFFFFFFF  }
0xa7: {  	s28 =	simm.s32 $_size_execute0_lowered;
	s2 =	sadd.s32 s2, s4;
	[dreg:$0x0] =	wrdreg $0x0  }
0xa8: {  	s4 =	sshll.u32 s28, $0x1;
	[dreg:$0x2] =	wrdreg s2  }
0xa9: {  	[dreg:$0x3] =	wrdreg s4  }
0xaa: {  	[dreg:$0x4] =	wrdreg $0xC0  }
0xab: {  	_ =	task [dreg:s6], $0x5FFFF  }
0xac: {  	[dreg:$0x1] =	wrdreg $0xFFFFFFFF  }
0xad: {  	[dreg:$0x0] =	wrdreg $0x60  }
0xae: {  	[dreg:$0x2] =	wrdreg s24  }
0xaf: {  	[dreg:$0x3] =	wrdreg $0x9  }
0xb0: {  	_ =	task.clear_ibuf [dreg:s6], $0x4FFFF;
	_ =	strace $0x90000046  }
0xb1: {  	s29 =	simm.s32 $0x9;
	_ =	strace $0x80000048  }
0xb2: {  	_ =	swait.ge [sflag:s29], $0x1  }
0xb3: {  	[sflag:s29] =	ssyncadd.s32 $0xFFFFFFFF  }
0xb4: {  	_ =	strace $0x90000048  }
0xb5: {  	_ =	sfence  }
0xb6: {  	s30 =	sld [smem:$0x0];
	_ =	sdelay $0x2  }
0xb7: {  	s31 =	sshll.u32 s1, $0xD;
	s1 =	sshrl.u32 s1, $0x2  }
0xb8: {  	s3 =	sand.u32 $0x4000, s31;
	s1 =	sadd.s32 s1, s30  }
0xb9: {  	s0 =	sor.u32 s3, s0;
	s1 =	sshll.u32 s1, $0x11  }
0xba: {  	s0 =	sor.u32 s1, s0  }
0xbb: {  	s0 =	sadd.s32 $0x8F2B, s0  }
0xbc: {  	[sflag:s0] =	ssyncadd.remote.s32 $0x1  }
0xbd: {  	_ =	sfence.sel $0xFFFF  }
0xbe: {  	[dreg:$0x0] =	wrdreg $0xFFFFFFFF;
	(pc) =	sbr.abs _section_cstart, $3  }
0xbf: {  	[dreg:$0x1] =	wrdreg $0xFFFFFFFF  }
0xc0: {  	_ =	task.clear_ibuf [dreg:s6], $0x2FFFF;
	_ =	strace $0x9FFFFFFF  }
0xc1: {  	(tm) =	ssettm $0x7FFFFFFF  }
tec
execute0_lowered:
.L_overlay_start_1:
0x0: {  	(tag) =	ssettag $0x1  }
0x1: {  	s1 =	srdreg.scid;
	s0 =	stileid.u32  }
0x2: {  	s5 =	rddreg [dreg:$0x0];
	s2 =	simm.s32 $0x0;
	s8 =	simm.s32 $0x80  }
0x3: {  	s9 =	simm.s32 $0x1;
	s4 =	sand.u32 $0x1, s1;
	s30 =	sshll.u32 s0, $0x1  }
0x4: {  	s10 =	simm.s32 $0x7800;
	s1 =	rddreg [dreg:$0x1];
	s3 =	sor.u32 s4, s30  }
0x5: {  	s11 =	simm.s32 $0x0;
	[smem:$0x7FF] =	sst s2;
	s6 =	smul.u32 $0xF00, s3  }
0x6: {  	_ =	strace $0x80000047;
	s4 =	ssub.s32 $0x2, s4;
	s7 =	smul.u32 $0xEA0, s3  }
0x7: {  	s3 =	sadd.s32 $0xC00, s5;
	s31 =	sshrl.u32 s4, $0x1;
	s6 =	sadd.s32 s6, s5  }
0x8: {  	s5 =	sadd.s32 s7, s5;
	s7 =	ssub.s32 s4, s31;
	s4 =	sadd.s32 $0x740C00, s6  }
0x9: {  	s5 =	sadd.s32 $0x75EC00, s5;
	s6 =	smax.u32 s7, $0x1;
	s7 =	simm.s32 $0x2  }
.LBB2_1:
0xa: {  	[tilespmem:s2], [sflag:$0x2] =	stream.linear.gather [hbm4b:s4+s2], $0x7500, $0x38;
	[tilespmem:$0xED00] =	vst v63  }
0xb: {  	_ =	swait.ge [sflag:s7], $0x7500  }
0xc: {  	[sflag:s7] =	ssyncset.done $0x0  }
0xd: {  	s12 =	simm.s32 $0x0;
	s13 =	simm.s32 $0x7800;
	[sflag:s7] =	ssyncadd.s32 $0xFFFF8B00  }
0xe: {  	[tilespmem:s13], [sflag:$0x1] =	stream.indirect.gather [hbm4b:s3+s8], $0x1, s12, s8, $0xb8;
	[tilespmem:$0xED00] =	vst v63  }
0xf: {  	s28 =	simm.s32 $0x7880;
	s29 =	simm.s32 $0x80  }
0x10: {  	[tilespmem:s28], [sflag:$0x1] =	stream.indirect.gather [hbm4b:s3+s8], $0x1, s29, s8, $0xb8;
	[tilespmem:$0xED00] =	vst v63  }
0x11: {  	s30 =	simm.s32 $0x7900;
	s31 =	simm.s32 $0x100  }
0x12: {  	[tilespmem:s30], [sflag:$0x1] =	stream.indirect.gather [hbm4b:s3+s8], $0x1, s31, s8, $0xb8;
	[tilespmem:$0xED00] =	vst v63  }
0x13: {  	s14 =	simm.s32 $0x180;
	s13 =	simm.s32 $0x7980  }
0x14: {  	[tilespmem:s13], [sflag:$0x1] =	stream.indirect.gather [hbm4b:s3+s8], $0x1, s14, s8, $0xb8;
	[tilespmem:$0xED00] =	vst v63  }
0x15: {  	s15 =	simm.s32 $0x7A00;
	s16 =	simm.s32 $0x200  }
0x16: {  	[tilespmem:s15], [sflag:$0x1] =	stream.indirect.gather [hbm4b:s3+s8], $0x1, s16, s8, $0xb8;
	[tilespmem:$0xED00] =	vst v63  }
0x17: {  	s17 =	simm.s32 $0x7A80;
	s18 =	simm.s32 $0x280  }
0x18: {  	[tilespmem:s17], [sflag:$0x1] =	stream.indirect.gather [hbm4b:s3+s8], $0x1, s18, s8, $0xb8;
	[tilespmem:$0xED00] =	vst v63  }
0x19: {  	s19 =	simm.s32 $0x7B00;
	s20 =	simm.s32 $0x300  }
0x1a: {  	[tilespmem:s19], [sflag:$0x1] =	stream.indirect.gather [hbm4b:s3+s8], $0x1, s20, s8, $0xb8;
	[tilespmem:$0xED00] =	vst v63  }
0x1b: {  	s21 =	simm.s32 $0x7B80;
	s22 =	simm.s32 $0x380  }
0x1c: {  	[tilespmem:s21], [sflag:$0x1] =	stream.indirect.gather [hbm4b:s3+s8], $0x1, s22, s8, $0xb8;
	[tilespmem:$0xED00] =	vst v63  }
0x1d: {  	s23 =	simm.s32 $0x7C00;
	s24 =	simm.s32 $0x400;
	s25 =	simm.s32 $0x7C80  }
0x1e: {  	[tilespmem:s23], [sflag:$0x1] =	stream.indirect.gather [hbm4b:s3+s8], $0x1, s24, s8, $0xb8;
	[tilespmem:$0xED00] =	vst v63  }
0x1f: {  	s26 =	simm.s32 $0x480;
	s12 =	simm.s32 $0x680;
	s28 =	simm.s32 $0x7D00  }
0x20: {  	[tilespmem:s25], [sflag:$0x1] =	stream.indirect.gather [hbm4b:s3+s8], $0x1, s26, s8, $0xb8;
	[tilespmem:$0xED00] =	vst v63  }
0x21: {  	s29 =	simm.s32 $0x500;
	s30 =	simm.s32 $0x7D80;
	s31 =	simm.s32 $0x580  }
0x22: {  	[tilespmem:s28], [sflag:$0x1] =	stream.indirect.gather [hbm4b:s3+s8], $0x1, s29, s8, $0xb8;
	[tilespmem:$0xED00] =	vst v63  }
0x23: {  	s15 =	simm.s32 $0x3400;
	s16 =	simm.s32 $0x7E00;
	s17 =	simm.s32 $0x600  }
0x24: {  	[tilespmem:s30], [sflag:$0x1] =	stream.indirect.gather [hbm4b:s3+s8], $0x1, s31, s8, $0xb8;
	[tilespmem:$0xED00] =	vst v63  }
.LBB2_2:
0x25: {  	[tilespmem:s16], [sflag:$0x1] =	stream.indirect.gather [hbm4b:s3+s8], $0x1, s17, s8, $0xb8;
	[tilespmem:$0xED00] =	vst v63  }
0x26: {  	s13 =	smov.u32 s15  }
0x27: {  	s16 =	sadd.s32 $0x7800, s12;
	s14 =	sshra.s32 s13, $0x2;
	s13 =	sadd.s32 $0x1A00, s15  }
0x28: {  	[tilespmem:s16], [sflag:$0x1] =	stream.indirect.gather [hbm4b:s3+s8], $0x1, s12, s8, $0xb8;
	[tilespmem:$0xED00] =	vst v63  }
0x29: {  	p0 =	sne.s32 s15, $0x1BA00;
	s15 =	sadd.s32 $0x7880, s12;
	s16 =	sadd.s32 $0x80, s12  }
0x2a: {  	[tilespmem:s15], [sflag:$0x1] =	stream.indirect.gather [hbm4b:s3+s8], $0x1, s16, s8, $0xb8;
	[tilespmem:$0xED00] =	vst v63  }
0x2b: {  	s15 =	sadd.s32 $0x7900, s12;
	s16 =	sadd.s32 $0x100, s12  }
0x2c: {  	[tilespmem:s15], [sflag:$0x1] =	stream.indirect.gather [hbm4b:s3+s8], $0x1, s16, s8, $0xb8;
	[tilespmem:$0xED00] =	vst v63  }
0x2d: {  	s15 =	sadd.s32 $0x7980, s12;
	s16 =	sadd.s32 $0x180, s12  }
0x2e: {  	[tilespmem:s15], [sflag:$0x1] =	stream.indirect.gather [hbm4b:s3+s8], $0x1, s16, s8, $0xb8;
	[tilespmem:$0xED00] =	vst v63  }
0x2f: {  	s15 =	sadd.s32 $0x7A00, s12;
	s16 =	sadd.s32 $0x200, s12  }
0x30: {  	[tilespmem:s15], [sflag:$0x1] =	stream.indirect.gather [hbm4b:s3+s8], $0x1, s16, s8, $0xb8;
	[tilespmem:$0xED00] =	vst v63  }
0x31: {  	s15 =	sadd.s32 $0x7A80, s12;
	s16 =	sadd.s32 $0x280, s12  }
0x32: {  	[tilespmem:s15], [sflag:$0x1] =	stream.indirect.gather [hbm4b:s3+s8], $0x1, s16, s8, $0xb8;
	[tilespmem:$0xED00] =	vst v63  }
0x33: {  	s15 =	sadd.s32 $0x7B00, s12;
	s16 =	sadd.s32 $0x300, s12  }
0x34: {  	[tilespmem:s15], [sflag:$0x1] =	stream.indirect.gather [hbm4b:s3+s8], $0x1, s16, s8, $0xb8;
	[tilespmem:$0xED00] =	vst v63  }
0x35: {  	s15 =	sadd.s32 $0x7B80, s12;
	s16 =	sadd.s32 $0x380, s12  }
0x36: {  	[tilespmem:s15], [sflag:$0x1] =	stream.indirect.gather [hbm4b:s3+s8], $0x1, s16, s8, $0xb8;
	[tilespmem:$0xED00] =	vst v63  }
0x37: {  	s15 =	sadd.s32 $0x7C00, s12;
	s16 =	sadd.s32 $0x400, s12  }
0x38: {  	[tilespmem:s15], [sflag:$0x1] =	stream.indirect.gather [hbm4b:s3+s8], $0x1, s16, s8, $0xb8;
	[tilespmem:$0xED00] =	vst v63  }
0x39: {  	s15 =	sadd.s32 $0x7C80, s12;
	s16 =	sadd.s32 $0x480, s12  }
0x3a: {  	[tilespmem:s15], [sflag:$0x1] =	stream.indirect.gather [hbm4b:s3+s8], $0x1, s16, s8, $0xb8;
	[tilespmem:$0xED00] =	vst v63  }
.Ltmp0:
0x3b: {  	s15 =	sadd.s32 $0x7D00, s12;
	s16 =	sadd.s32 $0x500, s12;
	(pc) =	sbr.rel @p0 .LBB2_2-.Ltmp0, $4  }
0x3c: {  	[tilespmem:s15], [sflag:$0x1] =	stream.indirect.gather [hbm4b:s3+s8], $0x1, s16, s8, $0xb8;
	[tilespmem:$0xED00] =	vst v63  }
0x3d: {  	s17 =	sadd.s32 $0x600, s12;
	s15 =	sadd.s32 $0x7D80, s12;
	s16 =	sadd.s32 $0x580, s12  }
0x3e: {  	[tilespmem:s15], [sflag:$0x1] =	stream.indirect.gather [hbm4b:s3+s8], $0x1, s16, s8, $0xb8;
	[tilespmem:$0xED00] =	vst v63  }
0x3f: {  	s16 =	sadd.s32 $0x7E00, s12;
	s12 =	smov.u32 s14;
	s15 =	smov.u32 s13  }
0x40: {  	[tilespmem:s16], [sflag:$0x1] =	stream.indirect.gather [hbm4b:s3+s8], $0x1, s17, s8, $0xb8;
	[tilespmem:$0xED00] =	vst v63  }
0x41: {  	s13 =	sadd.s32 $0x7800, s12  }
0x42: {  	[tilespmem:s13], [sflag:$0x1] =	stream.indirect.gather [hbm4b:s3+s8], $0x1, s12, s8, $0xb8;
	[tilespmem:$0xED00] =	vst v63  }
0x43: {  	s24 =	sadd.s32 $0x7880, s12;
	s14 =	sadd.s32 $0x80, s12  }
0x44: {  	[tilespmem:s24], [sflag:$0x1] =	stream.indirect.gather [hbm4b:s3+s8], $0x1, s14, s8, $0xb8;
	[tilespmem:$0xED00] =	vst v63  }
0x45: {  	s25 =	sadd.s32 $0x7900, s12;
	s26 =	sadd.s32 $0x100, s12  }
0x46: {  	[tilespmem:s25], [sflag:$0x1] =	stream.indirect.gather [hbm4b:s3+s8], $0x1, s26, s8, $0xb8;
	[tilespmem:$0xED00] =	vst v63  }
0x47: {  	s28 =	sadd.s32 $0x7980, s12;
	s29 =	sadd.s32 $0x180, s12  }
0x48: {  	[tilespmem:s28], [sflag:$0x1] =	stream.indirect.gather [hbm4b:s3+s8], $0x1, s29, s8, $0xb8;
	[tilespmem:$0xED00] =	vst v63  }
0x49: {  	s30 =	sadd.s32 $0x7A00, s12;
	s31 =	sadd.s32 $0x200, s12  }
0x4a: {  	[tilespmem:s30], [sflag:$0x1] =	stream.indirect.gather [hbm4b:s3+s8], $0x1, s31, s8, $0xb8;
	[tilespmem:$0xED00] =	vst v63  }
0x4b: {  	s15 =	sadd.s32 $0x7A80, s12;
	s16 =	sadd.s32 $0x280, s12  }
0x4c: {  	[tilespmem:s15], [sflag:$0x1] =	stream.indirect.gather [hbm4b:s3+s8], $0x1, s16, s8, $0xb8;
	[tilespmem:$0xED00] =	vst v63  }
0x4d: {  	s17 =	sadd.s32 $0x7B00, s12;
	s18 =	sadd.s32 $0x300, s12  }
0x4e: {  	[tilespmem:s17], [sflag:$0x1] =	stream.indirect.gather [hbm4b:s3+s8], $0x1, s18, s8, $0xb8;
	[tilespmem:$0xED00] =	vst v63  }
0x4f: {  	s19 =	sadd.s32 $0x7B80, s12;
	s20 =	sadd.s32 $0x380, s12  }
0x50: {  	[tilespmem:s19], [sflag:$0x1] =	stream.indirect.gather [hbm4b:s3+s8], $0x1, s20, s8, $0xb8;
	[tilespmem:$0xED00] =	vst v63  }
0x51: {  	s21 =	sadd.s32 $0x7C00, s12;
	s22 =	sadd.s32 $0x400, s12  }
0x52: {  	[tilespmem:s21], [sflag:$0x1] =	stream.indirect.gather [hbm4b:s3+s8], $0x1, s22, s8, $0xb8;
	[tilespmem:$0xED00] =	vst v63  }
0x53: {  	s23 =	sadd.s32 $0x7C80, s12;
	s24 =	sadd.s32 $0x480, s12  }
0x54: {  	[tilespmem:s23], [sflag:$0x1] =	stream.indirect.gather [hbm4b:s3+s8], $0x1, s24, s8, $0xb8;
	[tilespmem:$0xED00] =	vst v63  }
0x55: {  	s25 =	sadd.s32 $0x7D00, s12;
	s26 =	sadd.s32 $0x500, s12  }
0x56: {  	[tilespmem:s25], [sflag:$0x1] =	stream.indirect.gather [hbm4b:s3+s8], $0x1, s26, s8, $0xb8;
	[tilespmem:$0xED00] =	vst v63  }
0x57: {  	s28 =	sadd.s32 $0x7D80, s12;
	s29 =	sadd.s32 $0x580, s12  }
0x58: {  	[tilespmem:s28], [sflag:$0x1] =	stream.indirect.gather [hbm4b:s3+s8], $0x1, s29, s8, $0xb8;
	[tilespmem:$0xED00] =	vst v63  }
0x59: {  	s30 =	sadd.s32 $0x7E00, s12;
	s31 =	sadd.s32 $0x600, s12  }
0x5a: {  	[tilespmem:s30], [sflag:$0x1] =	stream.indirect.gather [hbm4b:s3+s8], $0x1, s31, s8, $0xb8;
	[tilespmem:$0xED00] =	vst v63  }
0x5b: {  	s11 =	sadd.s32 $0x1, s11;
	_ =	swait.ge [sflag:s9], $0x7500  }
0x5c: {  	p0 =	sne.s32 s11, s6;
	[sflag:s9] =	ssyncset.done $0x0  }
.Ltmp1:
0x5d: {  	[sflag:s9] =	ssyncadd.s32 $0xFFFF8B00;
	(pc) =	sbr.rel @p0 .LBB2_1-.Ltmp1, $4  }
0x5e: {  	[hbm4b:s5+s2] =	stream.linear.scatter [tilespmem:s10], [sflag:$0x2], $0x7500, $0x38;
	[tilespmem:$0xED00] =	vst v63  }
0x5f: {  	_ =	swait.ge [sflag:s7], $0x7500  }
0x60: {  	[sflag:s7] =	ssyncset.done $0x0  }
0x61: {  	[sflag:s7] =	ssyncadd.s32 $0xFFFF8B00  }
0x62: {  	_ =	sfence.sel $0x180000  }
0x63: {  	[bflag:$0x0] =	sbarrier.arrive $0xFFFF  }
0x64: {  	p0 =	sne.s32 s0, $0x0;
	_ =	strace $0x90000047  }
0x65: {  	s0 =	sadd.s32 @!p0 $0x100000, s1;
	[bflag:$0x2] =	sbarrier.arrive $0xFFFF  }
0x66: {  	[sflag:s0] =	ssyncadd.tile.s32 @!p0 $0x1;
	_ =	shalt  }
.Lfunc_end2:
_tile_overlayer_lowered:
.L_overlay_start_2:
0x67: {  	(tag) =	ssettag $0x2  }
0x68: {  	s0 =	rddreg [dreg:$0x0];
	s2 =	stileid.u32  }
0x69: {  	s1 =	rddreg [dreg:$0x1];
	p0 =	sne.s32 s2, $0x0  }
0x6a: {  	s3 =	rddreg [dreg:$0x2];
	[bflag:$0x3] =	sbarrier.arrive $0xFFFF;
	s2 =	simm.s32 @!p0 $0x1C02  }
0x6b: {  	[timem:s3], [sflag:s2] =	dma.local @!p0 [hbm:s0], s1  }
0x6c: {  	s0 =	simm.s32 @!p0 $0x2  }
0x6d: {  	_ =	swait.ge @!p0 [sflag:s0], s1  }
0x6e: {  	s1 =	ssub.s32 @!p0 $0x0, s1;
	[sflag:s0] =	ssyncset.done @!p0 $0x0  }
0x6f: {  	[sflag:s0] =	ssyncadd.s32 @!p0 s1  }
0x70: {  	[bflag:$0x3] =	sbarrier.arrive $0xFFFF  }
0x71: {  	_ =	shalt  }

</sc_bundles>
